<compile_context>
chip_gen: v7x
topology: tpu7x:2x2x1
jax: 0.10.2.dev20260603
libtpu: 0.0.44.dev20260713+nightly
codegen_flags: <defaults>
</compile_context>

<pallas_src>
import functools

import jax
import jax.numpy as jnp
from jax import lax
from jax.experimental import pallas as pl
from jax.experimental.pallas import tpu as pltpu
from jax.experimental.pallas import tpu_sc as plsc

VOCAB = 100000
EMBED_DIM = 32
BATCH = 1024
CTX_LEN = 20


def _sc_gather_mean_t(context_t, emb_t):
    mesh = plsc.VectorSubcoreMesh(core_axis_name="c", subcore_axis_name="s")

    @functools.partial(
        pl.kernel,
        mesh=mesh,
        out_type=jax.ShapeDtypeStruct((EMBED_DIM, BATCH), jnp.float32),
        scratch_types=[
            pltpu.VMEM((CTX_LEN * BATCH,), jnp.int32),
            pltpu.VMEM((VOCAB,), jnp.float32),
            pltpu.VMEM((BATCH,), jnp.float32),
            pltpu.SemaphoreType.DMA,
            pltpu.SemaphoreType.DMA,
        ],
        compiler_params=pltpu.CompilerParams(
            use_tc_tiling_on_sc=True, needs_layout_passes=False
        ),
    )
    def gather_mean(ctx_hbm, embt_hbm, out_hbm, idx_v, row_v, acc_v, sem1, sem2):
        c = lax.axis_index("c")
        s = lax.axis_index("s")
        d = c * 16 + s
        c1 = pltpu.async_copy(ctx_hbm, idx_v, sem1)
        c2 = pltpu.async_copy(embt_hbm.at[d], row_v, sem2)
        c1.wait()
        c2.wait()

        @plsc.parallel_loop(0, BATCH, step=16, unroll=4)
        def body(b0):
            acc = jnp.zeros((16,), jnp.float32)
            for j in range(CTX_LEN):
                cidx = idx_v[pl.ds(j * BATCH + b0, 16)]
                acc = acc + plsc.load_gather(row_v, [cidx])
            acc_v[pl.ds(b0, 16)] = acc * jnp.float32(1.0 / CTX_LEN)

        pltpu.sync_copy(acc_v, out_hbm.at[d])

    return gather_mean(context_t, emb_t)


V_BLOCK = 2048
N_VBLOCKS = (VOCAB + V_BLOCK - 1) // V_BLOCK


def _tc_matmul_kernel(wt_ref, avgt_ref, out_ref):
    out_ref[...] = lax.dot_general(
        wt_ref[...],
        avgt_ref[...],
        (((0,), (0,)), ((), ())),
        preferred_element_type=jnp.float32,
    )


def _tc_logits_t(WT, avgt):
    return pl.pallas_call(
        _tc_matmul_kernel,
        grid=(N_VBLOCKS,),
        in_specs=[
            pl.BlockSpec((EMBED_DIM, V_BLOCK), lambda i: (0, i)),
            pl.BlockSpec((EMBED_DIM, BATCH), lambda i: (0, 0)),
        ],
        out_specs=pl.BlockSpec((V_BLOCK, BATCH), lambda i: (i, 0)),
        out_shape=jax.ShapeDtypeStruct((VOCAB, BATCH), jnp.float32),
        compiler_params=pltpu.CompilerParams(
            dimension_semantics=("arbitrary",),
        ),
    )(WT, avgt)


def kernel(context, emb_table, W):
    context_t = context.astype(jnp.int32).T.reshape(-1)
    avgt = _sc_gather_mean_t(context_t, emb_table.T)
    return _tc_logits_t(W.T, avgt).T

# --- scband reference (transcript-rebuilt; emitter-appended) ---
"""Pipeline reference for scband-word2-vec-model-55052890800474 (READ-ONLY COPY).

The authoritative reference and input builder live on the scoring server;
editing this copy changes nothing except your own understanding.
"""

import jax, jax.numpy as jnp
import numpy as np

VOCAB = 100000
EMBED_DIM = 32
BATCH = 1024
CTX_LEN = 20


def setup_inputs(seed: int = 0) -> dict:
    key = jax.random.key(seed)
    k1, k2, k3 = jax.random.split(key, 3)
    context = jax.random.randint(k1, (BATCH, CTX_LEN), 0, VOCAB, dtype=jnp.int64 if jax.config.jax_enable_x64 else jnp.int32)
    emb_table = jax.random.normal(k2, (VOCAB, EMBED_DIM), dtype=jnp.float32) * 0.02
    W = jax.random.normal(k3, (VOCAB, EMBED_DIM), dtype=jnp.float32) * 0.02  # nn.Linear(embed_dim, vocab, bias=False) weight [out, in]
    return {"context": context, "emb_table": emb_table, "W": W}


def reference(context, emb_table, W):
    # embeds = self.embeddings(context)
    embeds = jnp.take(emb_table, context, axis=0)          # [B, L, D]
    # avg_embeds = embeds.mean(dim=1)
    avg_embeds = jnp.mean(embeds, axis=1)                   # [B, D]
    # logits = self.linear(avg_embeds)  (Linear weight is [vocab, embed_dim], y = x @ W^T)
    logits = avg_embeds @ W.T                               # [B, V]
    return logits

if __name__ == "__main__":
    import jax
    _d = setup_inputs()
    print(jax.jit(kernel)(*tuple(_d.values())))

</pallas_src>

<mosaic_0001>
#map = affine_map<(d0, d1) -> (0)>
#map1 = affine_map<(d0, d1) -> (0, 0)>
module attributes {stable_mosaic.version = 14 : i64} {
  func.func @gather_mean(%arg0: i32, %arg1: i32, %arg2: memref<20480xi32, #tpu.memory_space<hbm>>, %arg3: memref<32x100000xf32, #tpu.memory_space<hbm>>, %arg4: memref<32x1024xf32, #tpu.memory_space<hbm>>, %arg5: memref<20480xi32, #tpu.memory_space<vmem>>, %arg6: memref<100000xf32, #tpu.memory_space<vmem>>, %arg7: memref<1024xf32, #tpu.memory_space<vmem>>, %arg8: memref<!tpu.dma_semaphore, #tpu.memory_space<semaphore_mem>>, %arg9: memref<!tpu.dma_semaphore, #tpu.memory_space<semaphore_mem>>) attributes {dimension_semantics = [#tpu.dimension_semantics<core_parallel>, #tpu.dimension_semantics<subcore_parallel>], iteration_bounds = array<i64: 2, 16>, scalar_prefetch = 0 : i64, scratch_operands = 5 : i64, tpu.core_type = #tpu.core_type<sc_vector_subcore>, window_params = [{transform_indices = #map}, {transform_indices = #map1}, {transform_indices = #map1}]} {
    %mul3A = arith.constant 16 : i32
    %mul3A_0 = arith.muli %arg0, %mul3A : i32
    %add3A = arith.addi %mul3A_0, %arg1 : i32
    tpu.enqueue_dma source(%arg2 : memref<20480xi32, #tpu.memory_space<hbm>>) target(%arg5 : memref<20480xi32, #tpu.memory_space<vmem>>) target_semaphore(%arg8 : memref<!tpu.dma_semaphore, #tpu.memory_space<semaphore_mem>>)
    %dma_start3A = arith.constant 0 : i32
    %dma_start3A_1 = tpu.memref_slice %arg3[%add3A, %dma_start3A] : memref<32x100000xf32, #tpu.memory_space<hbm>> -> memref<1x100000xf32, #tpu.memory_space<hbm>>
    %dma_start3A_2 = tpu.memref_squeeze %dma_start3A_1 : memref<1x100000xf32, #tpu.memory_space<hbm>> -> memref<100000xf32, #tpu.memory_space<hbm>>
    %dma_start3A_3 = arith.constant 0 : i32
    %dma_start3A_4 = tpu.memref_slice %arg3[%add3A, %dma_start3A_3] : memref<32x100000xf32, #tpu.memory_space<hbm>> -> memref<1x100000xf32, #tpu.memory_space<hbm>>
    %dma_start3A_5 = tpu.memref_squeeze %dma_start3A_4 : memref<1x100000xf32, #tpu.memory_space<hbm>> -> memref<100000xf32, #tpu.memory_space<hbm>>
    tpu.enqueue_dma source(%dma_start3A_5 : memref<100000xf32, #tpu.memory_space<hbm>>) target(%arg6 : memref<100000xf32, #tpu.memory_space<vmem>>) target_semaphore(%arg9 : memref<!tpu.dma_semaphore, #tpu.memory_space<semaphore_mem>>)
    tpu.wait_dma2 semaphore(%arg8 : memref<!tpu.dma_semaphore, #tpu.memory_space<semaphore_mem>>) src(%arg2 : memref<20480xi32, #tpu.memory_space<hbm>>) dst(%arg5 : memref<20480xi32, #tpu.memory_space<vmem>>)
    %dma_wait3A = arith.constant 0 : i32
    %dma_wait3A_6 = tpu.memref_slice %arg3[%add3A, %dma_wait3A] : memref<32x100000xf32, #tpu.memory_space<hbm>> -> memref<1x100000xf32, #tpu.memory_space<hbm>>
    %dma_wait3A_7 = tpu.memref_squeeze %dma_wait3A_6 : memref<1x100000xf32, #tpu.memory_space<hbm>> -> memref<100000xf32, #tpu.memory_space<hbm>>
    %dma_wait3A_8 = arith.constant 0 : i32
    %dma_wait3A_9 = tpu.memref_slice %arg3[%add3A, %dma_wait3A_8] : memref<32x100000xf32, #tpu.memory_space<hbm>> -> memref<1x100000xf32, #tpu.memory_space<hbm>>
    %dma_wait3A_10 = tpu.memref_squeeze %dma_wait3A_9 : memref<1x100000xf32, #tpu.memory_space<hbm>> -> memref<100000xf32, #tpu.memory_space<hbm>>
    tpu.wait_dma2 semaphore(%arg9 : memref<!tpu.dma_semaphore, #tpu.memory_space<semaphore_mem>>) src(%dma_wait3A_10 : memref<100000xf32, #tpu.memory_space<hbm>>) dst(%arg6 : memref<100000xf32, #tpu.memory_space<vmem>>)
    %parallel_loop3A = arith.constant 0 : i32
    %parallel_loop3A_11 = arith.constant 1024 : i32
    %parallel_loop3A_12 = arith.constant 16 : i32
    scf.for %parallel_loop3A_13 = %parallel_loop3A to %parallel_loop3A_11 step %parallel_loop3A_12  : i32 {
      %parallel_loop3A_14 = arith.constant 0.000000e+00 : f32
      %parallel_loop3A_15 = vector.broadcast %parallel_loop3A_14 : f32 to vector<16xf32>
      %parallel_loop3A_16 = arith.constant 0 : i32
      %parallel_loop3A_17 = arith.addi %parallel_loop3A_16, %parallel_loop3A_13 : i32
      %parallel_loop3A_18 = arith.index_cast %parallel_loop3A_17 : i32 to index
      %parallel_loop3A_19 = tpu.vector_load %arg5[%parallel_loop3A_18] {strides = array<i32>} : memref<20480xi32, #tpu.memory_space<vmem>>, vector<16xi32>,
      %parallel_loop3A_20 = tpu.vector_load_idx %arg6[%parallel_loop3A_19] : memref<100000xf32, #tpu.memory_space<vmem>>[vector<16xi32>], vector<16xf32>,
      %parallel_loop3A_21 = arith.addf %parallel_loop3A_15, %parallel_loop3A_20 : vector<16xf32>
      %parallel_loop3A_22 = arith.constant 1024 : i32
      %parallel_loop3A_23 = arith.addi %parallel_loop3A_22, %parallel_loop3A_13 : i32
      %parallel_loop3A_24 = arith.index_cast %parallel_loop3A_23 : i32 to index
      %parallel_loop3A_25 = tpu.vector_load %arg5[%parallel_loop3A_24] {strides = array<i32>} : memref<20480xi32, #tpu.memory_space<vmem>>, vector<16xi32>,
      %parallel_loop3A_26 = tpu.vector_load_idx %arg6[%parallel_loop3A_25] : memref<100000xf32, #tpu.memory_space<vmem>>[vector<16xi32>], vector<16xf32>,
      %parallel_loop3A_27 = arith.addf %parallel_loop3A_21, %parallel_loop3A_26 : vector<16xf32>
      %parallel_loop3A_28 = arith.constant 2048 : i32
      %parallel_loop3A_29 = arith.addi %parallel_loop3A_28, %parallel_loop3A_13 : i32
      %parallel_loop3A_30 = arith.index_cast %parallel_loop3A_29 : i32 to index
      %parallel_loop3A_31 = tpu.vector_load %arg5[%parallel_loop3A_30] {strides = array<i32>} : memref<20480xi32, #tpu.memory_space<vmem>>, vector<16xi32>,
      %parallel_loop3A_32 = tpu.vector_load_idx %arg6[%parallel_loop3A_31] : memref<100000xf32, #tpu.memory_space<vmem>>[vector<16xi32>], vector<16xf32>,
      %parallel_loop3A_33 = arith.addf %parallel_loop3A_27, %parallel_loop3A_32 : vector<16xf32>
      %parallel_loop3A_34 = arith.constant 3072 : i32
      %parallel_loop3A_35 = arith.addi %parallel_loop3A_34, %parallel_loop3A_13 : i32
      %parallel_loop3A_36 = arith.index_cast %parallel_loop3A_35 : i32 to index
      %parallel_loop3A_37 = tpu.vector_load %arg5[%parallel_loop3A_36] {strides = array<i32>} : memref<20480xi32, #tpu.memory_space<vmem>>, vector<16xi32>,
      %parallel_loop3A_38 = tpu.vector_load_idx %arg6[%parallel_loop3A_37] : memref<100000xf32, #tpu.memory_space<vmem>>[vector<16xi32>], vector<16xf32>,
      %parallel_loop3A_39 = arith.addf %parallel_loop3A_33, %parallel_loop3A_38 : vector<16xf32>
      %parallel_loop3A_40 = arith.constant 4096 : i32
      %parallel_loop3A_41 = arith.addi %parallel_loop3A_40, %parallel_loop3A_13 : i32
      %parallel_loop3A_42 = arith.index_cast %parallel_loop3A_41 : i32 to index
      %parallel_loop3A_43 = tpu.vector_load %arg5[%parallel_loop3A_42] {strides = array<i32>} : memref<20480xi32, #tpu.memory_space<vmem>>, vector<16xi32>,
      %parallel_loop3A_44 = tpu.vector_load_idx %arg6[%parallel_loop3A_43] : memref<100000xf32, #tpu.memory_space<vmem>>[vector<16xi32>], vector<16xf32>,
      %parallel_loop3A_45 = arith.addf %parallel_loop3A_39, %parallel_loop3A_44 : vector<16xf32>
      %parallel_loop3A_46 = arith.constant 5120 : i32
      %parallel_loop3A_47 = arith.addi %parallel_loop3A_46, %parallel_loop3A_13 : i32
      %parallel_loop3A_48 = arith.index_cast %parallel_loop3A_47 : i32 to index
      %parallel_loop3A_49 = tpu.vector_load %arg5[%parallel_loop3A_48] {strides = array<i32>} : memref<20480xi32, #tpu.memory_space<vmem>>, vector<16xi32>,
      %parallel_loop3A_50 = tpu.vector_load_idx %arg6[%parallel_loop3A_49] : memref<100000xf32, #tpu.memory_space<vmem>>[vector<16xi32>], vector<16xf32>,
      %parallel_loop3A_51 = arith.addf %parallel_loop3A_45, %parallel_loop3A_50 : vector<16xf32>
      %parallel_loop3A_52 = arith.constant 6144 : i32
      %parallel_loop3A_53 = arith.addi %parallel_loop3A_52, %parallel_loop3A_13 : i32
      %parallel_loop3A_54 = arith.index_cast %parallel_loop3A_53 : i32 to index
      %parallel_loop3A_55 = tpu.vector_load %arg5[%parallel_loop3A_54] {strides = array<i32>} : memref<20480xi32, #tpu.memory_space<vmem>>, vector<16xi32>,
      %parallel_loop3A_56 = tpu.vector_load_idx %arg6[%parallel_loop3A_55] : memref<100000xf32, #tpu.memory_space<vmem>>[vector<16xi32>], vector<16xf32>,
      %parallel_loop3A_57 = arith.addf %parallel_loop3A_51, %parallel_loop3A_56 : vector<16xf32>
      %parallel_loop3A_58 = arith.constant 7168 : i32
      %parallel_loop3A_59 = arith.addi %parallel_loop3A_58, %parallel_loop3A_13 : i32
      %parallel_loop3A_60 = arith.index_cast %parallel_loop3A_59 : i32 to index
      %parallel_loop3A_61 = tpu.vector_load %arg5[%parallel_loop3A_60] {strides = array<i32>} : memref<20480xi32, #tpu.memory_space<vmem>>, vector<16xi32>,
      %parallel_loop3A_62 = tpu.vector_load_idx %arg6[%parallel_loop3A_61] : memref<100000xf32, #tpu.memory_space<vmem>>[vector<16xi32>], vector<16xf32>,
      %parallel_loop3A_63 = arith.addf %parallel_loop3A_57, %parallel_loop3A_62 : vector<16xf32>
      %parallel_loop3A_64 = arith.constant 8192 : i32
      %parallel_loop3A_65 = arith.addi %parallel_loop3A_64, %parallel_loop3A_13 : i32
      %parallel_loop3A_66 = arith.index_cast %parallel_loop3A_65 : i32 to index
      %parallel_loop3A_67 = tpu.vector_load %arg5[%parallel_loop3A_66] {strides = array<i32>} : memref<20480xi32, #tpu.memory_space<vmem>>, vector<16xi32>,
      %parallel_loop3A_68 = tpu.vector_load_idx %arg6[%parallel_loop3A_67] : memref<100000xf32, #tpu.memory_space<vmem>>[vector<16xi32>], vector<16xf32>,
      %parallel_loop3A_69 = arith.addf %parallel_loop3A_63, %parallel_loop3A_68 : vector<16xf32>
      %parallel_loop3A_70 = arith.constant 9216 : i32
      %parallel_loop3A_71 = arith.addi %parallel_loop3A_70, %parallel_loop3A_13 : i32
      %parallel_loop3A_72 = arith.index_cast %parallel_loop3A_71 : i32 to index
      %parallel_loop3A_73 = tpu.vector_load %arg5[%parallel_loop3A_72] {strides = array<i32>} : memref<20480xi32, #tpu.memory_space<vmem>>, vector<16xi32>,
      %parallel_loop3A_74 = tpu.vector_load_idx %arg6[%parallel_loop3A_73] : memref<100000xf32, #tpu.memory_space<vmem>>[vector<16xi32>], vector<16xf32>,
      %parallel_loop3A_75 = arith.addf %parallel_loop3A_69, %parallel_loop3A_74 : vector<16xf32>
      %parallel_loop3A_76 = arith.constant 10240 : i32
      %parallel_loop3A_77 = arith.addi %parallel_loop3A_76, %parallel_loop3A_13 : i32
      %parallel_loop3A_78 = arith.index_cast %parallel_loop3A_77 : i32 to index
      %parallel_loop3A_79 = tpu.vector_load %arg5[%parallel_loop3A_78] {strides = array<i32>} : memref<20480xi32, #tpu.memory_space<vmem>>, vector<16xi32>,
      %parallel_loop3A_80 = tpu.vector_load_idx %arg6[%parallel_loop3A_79] : memref<100000xf32, #tpu.memory_space<vmem>>[vector<16xi32>], vector<16xf32>,
      %parallel_loop3A_81 = arith.addf %parallel_loop3A_75, %parallel_loop3A_80 : vector<16xf32>
      %parallel_loop3A_82 = arith.constant 11264 : i32
      %parallel_loop3A_83 = arith.addi %parallel_loop3A_82, %parallel_loop3A_13 : i32
      %parallel_loop3A_84 = arith.index_cast %parallel_loop3A_83 : i32 to index
      %parallel_loop3A_85 = tpu.vector_load %arg5[%parallel_loop3A_84] {strides = array<i32>} : memref<20480xi32, #tpu.memory_space<vmem>>, vector<16xi32>,
      %parallel_loop3A_86 = tpu.vector_load_idx %arg6[%parallel_loop3A_85] : memref<100000xf32, #tpu.memory_space<vmem>>[vector<16xi32>], vector<16xf32>,
      %parallel_loop3A_87 = arith.addf %parallel_loop3A_81, %parallel_loop3A_86 : vector<16xf32>
      %parallel_loop3A_88 = arith.constant 12288 : i32
      %parallel_loop3A_89 = arith.addi %parallel_loop3A_88, %parallel_loop3A_13 : i32
      %parallel_loop3A_90 = arith.index_cast %parallel_loop3A_89 : i32 to index
      %parallel_loop3A_91 = tpu.vector_load %arg5[%parallel_loop3A_90] {strides = array<i32>} : memref<20480xi32, #tpu.memory_space<vmem>>, vector<16xi32>,
      %parallel_loop3A_92 = tpu.vector_load_idx %arg6[%parallel_loop3A_91] : memref<100000xf32, #tpu.memory_space<vmem>>[vector<16xi32>], vector<16xf32>,
      %parallel_loop3A_93 = arith.addf %parallel_loop3A_87, %parallel_loop3A_92 : vector<16xf32>
      %parallel_loop3A_94 = arith.constant 13312 : i32
      %parallel_loop3A_95 = arith.addi %parallel_loop3A_94, %parallel_loop3A_13 : i32
      %parallel_loop3A_96 = arith.index_cast %parallel_loop3A_95 : i32 to index
      %parallel_loop3A_97 = tpu.vector_load %arg5[%parallel_loop3A_96] {strides = array<i32>} : memref<20480xi32, #tpu.memory_space<vmem>>, vector<16xi32>,
      %parallel_loop3A_98 = tpu.vector_load_idx %arg6[%parallel_loop3A_97] : memref<100000xf32, #tpu.memory_space<vmem>>[vector<16xi32>], vector<16xf32>,
      %parallel_loop3A_99 = arith.addf %parallel_loop3A_93, %parallel_loop3A_98 : vector<16xf32>
      %parallel_loop3A_100 = arith.constant 14336 : i32
      %parallel_loop3A_101 = arith.addi %parallel_loop3A_100, %parallel_loop3A_13 : i32
      %parallel_loop3A_102 = arith.index_cast %parallel_loop3A_101 : i32 to index
      %parallel_loop3A_103 = tpu.vector_load %arg5[%parallel_loop3A_102] {strides = array<i32>} : memref<20480xi32, #tpu.memory_space<vmem>>, vector<16xi32>,
      %parallel_loop3A_104 = tpu.vector_load_idx %arg6[%parallel_loop3A_103] : memref<100000xf32, #tpu.memory_space<vmem>>[vector<16xi32>], vector<16xf32>,
      %parallel_loop3A_105 = arith.addf %parallel_loop3A_99, %parallel_loop3A_104 : vector<16xf32>
      %parallel_loop3A_106 = arith.constant 15360 : i32
      %parallel_loop3A_107 = arith.addi %parallel_loop3A_106, %parallel_loop3A_13 : i32
      %parallel_loop3A_108 = arith.index_cast %parallel_loop3A_107 : i32 to index
      %parallel_loop3A_109 = tpu.vector_load %arg5[%parallel_loop3A_108] {strides = array<i32>} : memref<20480xi32, #tpu.memory_space<vmem>>, vector<16xi32>,
      %parallel_loop3A_110 = tpu.vector_load_idx %arg6[%parallel_loop3A_109] : memref<100000xf32, #tpu.memory_space<vmem>>[vector<16xi32>], vector<16xf32>,
      %parallel_loop3A_111 = arith.addf %parallel_loop3A_105, %parallel_loop3A_110 : vector<16xf32>
      %parallel_loop3A_112 = arith.constant 16384 : i32
      %parallel_loop3A_113 = arith.addi %parallel_loop3A_112, %parallel_loop3A_13 : i32
      %parallel_loop3A_114 = arith.index_cast %parallel_loop3A_113 : i32 to index
      %parallel_loop3A_115 = tpu.vector_load %arg5[%parallel_loop3A_114] {strides = array<i32>} : memref<20480xi32, #tpu.memory_space<vmem>>, vector<16xi32>,
      %parallel_loop3A_116 = tpu.vector_load_idx %arg6[%parallel_loop3A_115] : memref<100000xf32, #tpu.memory_space<vmem>>[vector<16xi32>], vector<16xf32>,
      %parallel_loop3A_117 = arith.addf %parallel_loop3A_111, %parallel_loop3A_116 : vector<16xf32>
      %parallel_loop3A_118 = arith.constant 17408 : i32
      %parallel_loop3A_119 = arith.addi %parallel_loop3A_118, %parallel_loop3A_13 : i32
      %parallel_loop3A_120 = arith.index_cast %parallel_loop3A_119 : i32 to index
      %parallel_loop3A_121 = tpu.vector_load %arg5[%parallel_loop3A_120] {strides = array<i32>} : memref<20480xi32, #tpu.memory_space<vmem>>, vector<16xi32>,
      %parallel_loop3A_122 = tpu.vector_load_idx %arg6[%parallel_loop3A_121] : memref<100000xf32, #tpu.memory_space<vmem>>[vector<16xi32>], vector<16xf32>,
      %parallel_loop3A_123 = arith.addf %parallel_loop3A_117, %parallel_loop3A_122 : vector<16xf32>
      %parallel_loop3A_124 = arith.constant 18432 : i32
      %parallel_loop3A_125 = arith.addi %parallel_loop3A_124, %parallel_loop3A_13 : i32
      %parallel_loop3A_126 = arith.index_cast %parallel_loop3A_125 : i32 to index
      %parallel_loop3A_127 = tpu.vector_load %arg5[%parallel_loop3A_126] {strides = array<i32>} : memref<20480xi32, #tpu.memory_space<vmem>>, vector<16xi32>,
      %parallel_loop3A_128 = tpu.vector_load_idx %arg6[%parallel_loop3A_127] : memref<100000xf32, #tpu.memory_space<vmem>>[vector<16xi32>], vector<16xf32>,
      %parallel_loop3A_129 = arith.addf %parallel_loop3A_123, %parallel_loop3A_128 : vector<16xf32>
      %parallel_loop3A_130 = arith.constant 19456 : i32
      %parallel_loop3A_131 = arith.addi %parallel_loop3A_130, %parallel_loop3A_13 : i32
      %parallel_loop3A_132 = arith.index_cast %parallel_loop3A_131 : i32 to index
      %parallel_loop3A_133 = tpu.vector_load %arg5[%parallel_loop3A_132] {strides = array<i32>} : memref<20480xi32, #tpu.memory_space<vmem>>, vector<16xi32>,
      %parallel_loop3A_134 = tpu.vector_load_idx %arg6[%parallel_loop3A_133] : memref<100000xf32, #tpu.memory_space<vmem>>[vector<16xi32>], vector<16xf32>,
      %parallel_loop3A_135 = arith.addf %parallel_loop3A_129, %parallel_loop3A_134 : vector<16xf32>
      %parallel_loop3A_136 = arith.constant 5.000000e-02 : f32
      %parallel_loop3A_137 = vector.broadcast %parallel_loop3A_136 : f32 to vector<16xf32>
      %parallel_loop3A_138 = arith.mulf %parallel_loop3A_135, %parallel_loop3A_137 : vector<16xf32>
      %parallel_loop3A_139 = arith.index_cast %parallel_loop3A_13 : i32 to index
      %parallel_loop3A_140 = tpu.vector_load %arg7[%parallel_loop3A_139] {strides = array<i32>} : memref<1024xf32, #tpu.memory_space<vmem>>, vector<16xf32>,
      tpu.vector_store %arg7[%parallel_loop3A_139], %parallel_loop3A_138 {strides = array<i32>} : memref<1024xf32, #tpu.memory_space<vmem>>, vector<16xf32>,
    } {sc.loop_unroll_factor = 4 : i64, sc.parallel_access}
    "tpu.region"() ({
      %run_scoped3A = tpu.sem_alloc : memref<!tpu.dma_semaphore, #tpu.memory_space<semaphore_mem>>
      %dma_start3A_13 = arith.constant 0 : i32
      %dma_start3A_14 = tpu.memref_slice %arg4[%add3A, %dma_start3A_13] : memref<32x1024xf32, #tpu.memory_space<hbm>> -> memref<1x1024xf32, #tpu.memory_space<hbm>>
      %dma_start3A_15 = tpu.memref_squeeze %dma_start3A_14 : memref<1x1024xf32, #tpu.memory_space<hbm>> -> memref<1024xf32, #tpu.memory_space<hbm>>
      %dma_start3A_16 = arith.constant 0 : i32
      %dma_start3A_17 = tpu.memref_slice %arg4[%add3A, %dma_start3A_16] : memref<32x1024xf32, #tpu.memory_space<hbm>> -> memref<1x1024xf32, #tpu.memory_space<hbm>>
      %dma_start3A_18 = tpu.memref_squeeze %dma_start3A_17 : memref<1x1024xf32, #tpu.memory_space<hbm>> -> memref<1024xf32, #tpu.memory_space<hbm>>
      tpu.enqueue_dma source(%arg7 : memref<1024xf32, #tpu.memory_space<vmem>>) target(%dma_start3A_18 : memref<1024xf32, #tpu.memory_space<hbm>>) target_semaphore(%run_scoped3A : memref<!tpu.dma_semaphore, #tpu.memory_space<semaphore_mem>>)
      %dma_wait3A_19 = arith.constant 0 : i32
      %dma_wait3A_20 = tpu.memref_slice %arg4[%add3A, %dma_wait3A_19] : memref<32x1024xf32, #tpu.memory_space<hbm>> -> memref<1x1024xf32, #tpu.memory_space<hbm>>
      %dma_wait3A_21 = tpu.memref_squeeze %dma_wait3A_20 : memref<1x1024xf32, #tpu.memory_space<hbm>> -> memref<1024xf32, #tpu.memory_space<hbm>>
      %dma_wait3A_22 = arith.constant 0 : i32
      %dma_wait3A_23 = tpu.memref_slice %arg4[%add3A, %dma_wait3A_22] : memref<32x1024xf32, #tpu.memory_space<hbm>> -> memref<1x1024xf32, #tpu.memory_space<hbm>>
      %dma_wait3A_24 = tpu.memref_squeeze %dma_wait3A_23 : memref<1x1024xf32, #tpu.memory_space<hbm>> -> memref<1024xf32, #tpu.memory_space<hbm>>
      tpu.wait_dma2 semaphore(%run_scoped3A : memref<!tpu.dma_semaphore, #tpu.memory_space<semaphore_mem>>) src(%arg7 : memref<1024xf32, #tpu.memory_space<vmem>>) dst(%dma_wait3A_24 : memref<1024xf32, #tpu.memory_space<hbm>>)
      tpu.yield
    }) : () -> ()
    return
  }
}

module attributes {stable_mosaic.version = 14 : i64} {
  func.func @_tc_matmul_kernel(%arg0: i32, %arg1: memref<32x2048xf32, #tpu.memory_space<vmem>>, %arg2: memref<32x1024xf32, #tpu.memory_space<vmem>>, %arg3: memref<2048x1024xf32, #tpu.memory_space<vmem>>) attributes {dimension_semantics = [#tpu.dimension_semantics<arbitrary>], iteration_bounds = array<i64: 49>, scalar_prefetch = 0 : i64, scratch_operands = 0 : i64, tpu.core_type = #tpu.core_type<tc>, window_params = [{transform_indices = @transform_0, window_bounds = array<i64: 32, 2048>}, {pipeline_mode = #tpu.pipeline_mode<synchronous>, transform_indices = @transform_1, window_bounds = array<i64: 32, 1024>}, {transform_indices = @transform_2, window_bounds = array<i64: 2048, 1024>}]} {
    %get3A = arith.constant 0 : index
    %get3A_0 = arith.constant 0 : index
    %get3A_1 = vector.load %arg1[%get3A, %get3A_0] : memref<32x2048xf32, #tpu.memory_space<vmem>>, vector<32x2048xf32>
    %get3A_2 = arith.constant 0 : index
    %get3A_3 = arith.constant 0 : index
    %get3A_4 = vector.load %arg2[%get3A_2, %get3A_3] : memref<32x1024xf32, #tpu.memory_space<vmem>>, vector<32x1024xf32>
    %dot_general3A = arith.constant dense<0.000000e+00> : vector<2048x1024xf32>
    %dot_general3A_5 = tpu.matmul %get3A_1, %get3A_4, %dot_general3A {dimension_numbers = #tpu.dot_dimension_numbers<[0], [0], [1], [1], [0, 1, 1, 1], [], []>, transpose_lhs_hint = false} : vector<32x2048xf32>, vector<32x1024xf32>, vector<2048x1024xf32> -> vector<2048x1024xf32>
    %swap3A = arith.constant 0 : index
    %swap3A_6 = arith.constant 0 : index
    %swap3A_7 = vector.load %arg3[%swap3A, %swap3A_6] : memref<2048x1024xf32, #tpu.memory_space<vmem>>, vector<2048x1024xf32>
    tpu.vector_store %arg3[%swap3A, %swap3A_6], %dot_general3A_5 {strides = array<i32>} : memref<2048x1024xf32, #tpu.memory_space<vmem>>, vector<2048x1024xf32>,
    return
  }
  func.func @transform_0(%arg0: i32) -> (i32, i32) {
    %c0_i32 = arith.constant 0 : i32
    %c0_i32_0 = arith.constant 0 : i32
    return %c0_i32, %arg0 : i32, i32
  }
  func.func @transform_1(%arg0: i32) -> (i32, i32) {
    %c0_i32 = arith.constant 0 : i32
    %c0_i32_0 = arith.constant 0 : i32
    %c0_i32_1 = arith.constant 0 : i32
    return %c0_i32, %c0_i32_0 : i32, i32
  }
  func.func @transform_2(%arg0: i32) -> (i32, i32) {
    %c0_i32 = arith.constant 0 : i32
    %c0_i32_0 = arith.constant 0 : i32
    return %arg0, %c0_i32 : i32, i32
  }
}

</mosaic_0001>

<sc_bundles>
// kernel: kernel.4.cloned.1.call-start
scs
__scs_entry_jumppad:
0x0: {  	(pc) =	sbr.rel $0x88, $3  }
0x1: {  	(tag) =	ssettag $0x0;
	lr =	simm.s32 $0x1  }
0x2: {  	[smem:$0x3F9E] =	sst lr;
	_ =	strace $0xD0000000  }
0x3: {  	_ = 	snop  }
0x4: {  	_ = 	snop  }
0x5: {  	_ = 	snop  }
0x6: {  	_ = 	snop  }
0x7: {  	_ = 	snop  }
__scs_overlays_trampoline_lowered:
0x8: {  	[smem:$0x3FAD] =	sst s0  }
0x9: {  	[smem:$0x3FAE] =	sst s1  }
0xa: {  	[smem:$0x3FAF] =	sst s2  }
0xb: {  	[smem:$0x3FB0] =	sst s3  }
0xc: {  	[smem:$0x3FB1] =	sst s4  }
0xd: {  	[smem:$0x3FB2] =	sst s5  }
0xe: {  	[smem:$0x3FB3] =	sst s6  }
0xf: {  	[smem:$0x3FB4] =	sst s7  }
0x10: {  	[smem:$0x3FB5] =	sst s8  }
0x11: {  	[smem:$0x3FB6] =	sst s9;
	s0 =	simm.s32 @!p0 $0x0  }
0x12: {  	s1 =	sld [smem:$0x3F9C];
	s0 =	simm.s32 @p0 $0x1  }
0x13: {  	[smem:$0x3FB7] =	sst s0;
	s0 =	simm.s32 @!p1 $0x0  }
0x14: {  	s2 =	sld [smem:$0x3F9B];
	s0 =	simm.s32 @p1 $0x1  }
0x15: {  	[smem:$0x3FB8] =	sst s0;
	s0 =	simm.s32 @!p2 $0x0  }
0x16: {  	s3 =	sld [smem:$0x3FDB];
	s0 =	simm.s32 @p2 $0x1  }
0x17: {  	s4 =	simm.s32 $0x1BF5;
	[smem:$0x3FBA] =	sst s0  }
0x18: {  	s0 =	sld [smem:$0x3F9D];
	_ =	swait.ge [sflag:s4], $0x0  }
0x19: {  	s7 =	sld [smem:$0x3F9E]  }
0x1a: {  	s8 =	sadd.s32 $0xFFFFE003, lr  }
0x1b: {  	s9 =	sadd.s32 $0xFFFFFEF7, lr;
	s5 =	simm.s32 $0xFFFFFFFF;
	p2 =	slt.u32 s8, $0xFFFFF086  }
0x1c: {  	p1 =	slt.u32 s9, $0xF7A;
	s5 =	simm.s32 @!p2 $0x0  }
0x1d: {  	s5 =	simm.s32 @p1 $0x1;
	p0 =	seq.s32 s7, s2  }
0x1e: {  	s7 =	smul.u32 @!p0 $0xF7A, s2;
	p2 =	seq.s32 @!p0 s5, $0x0  }
0x1f: {  	s9 =	smul.u32 $0xF7A, s1;
	s8 =	simm.s32 @!p0 $0x1BF5;
	p2 =	por !p2, p0  }
0x20: {  	[sflag:s8] =	ssyncset.s32 @!p0 $0xFFFFF086;
	s6 =	sadd.s32 @!p0 s3, s7;
	s7 =	simm.s32 @!p0 $0x108  }
0x21: {  	s3 =	sadd.s32 s3, s9;
	s6 =	sadd.s32 @!p0 $0x88, s6;
	s7 =	simm.s32 @p2 $0x1082  }
0x22: {  	[simem:s7], [sflag:s8] =	dma.local @!p0 [hbm:s6], $0xF7A  }
0x23: {  	s9 =	sor.u32 $0xD0000000, s2;
	s6 =	simm.s32 $0x108;
	_ =	swait.ge @!p0 [sflag:s8], $0x0  }
0x24: {  	s3 =	sadd.s32 $0x88, s3;
	s6 =	simm.s32 @!p1 $0x1082;
	[sflag:s4] =	ssyncset.s32 $0xFFFFF086  }
0x25: {  	[simem:s6], [sflag:s4] =	dma.local [hbm:s3], $0xF7A  }
0x26: {  	[smem:$0x3F9E] =	sst s1;
	(tag) =	ssettag s2;
	_ =	strace s9  }
0x27: {  	s1 =	sld [smem:$0x3FAE]  }
0x28: {  	s2 =	sld [smem:$0x3FAF]  }
0x29: {  	s4 =	sld [smem:$0x3FB1]  }
0x2a: {  	p0 =	seq.s32 s5, $0x0;
	s5 =	sld [smem:$0x3FB2]  }
0x2b: {  	s6 =	sld [smem:$0x3FB3]  }
0x2c: {  	s7 =	sld [smem:$0x3FB4]  }
0x2d: {  	s3 =	simm.s32 $0x108;
	s8 =	sld [smem:$0x3FB5]  }
0x2e: {  	s3 =	simm.s32 @!p0 $0x1082;
	s9 =	sld [smem:$0x3FB6]  }
0x2f: {  	lr =	sadd.s32 s0, s3;
	s0 =	sld [smem:$0x3FAD]  }
0x30: {  	s3 =	sld [smem:$0x3FB0]  }
0x31: {  	[smem:$0x3FB9] =	sst s10  }
0x32: {  	s10 =	sld [smem:$0x3FB7];
	_ =	sdelay $0x3  }
0x33: {  	p0 =	seq.s32 s10, $0x1;
	s10 =	sld [smem:$0x3FB9];
	_ =	sdelay $0x3  }
0x34: {  	[smem:$0x3FB9] =	sst s10  }
0x35: {  	s10 =	sld [smem:$0x3FB8];
	_ =	sdelay $0x3  }
0x36: {  	p1 =	seq.s32 s10, $0x1;
	s10 =	sld [smem:$0x3FB9];
	_ =	sdelay $0x3  }
0x37: {  	[smem:$0x3FB9] =	sst s10  }
0x38: {  	s10 =	sld [smem:$0x3FBA]  }
0x39: {  	_ = 	snop;
	(pc) =	sbr.ind lr, $3  }
0x3a: {  	_ = 	snop  }
0x3b: {  	_ = 	snop  }
0x3c: {  	p2 =	seq.s32 s10, $0x1;
	s10 =	sld [smem:$0x3FB9]  }
0x3d: {  	_ =	shalt  }
0x3e: {  	_ =	shalt  }
0x3f: {  	_ =	shalt  }
0x40: {  	_ =	shalt  }
0x41: {  	_ =	shalt  }
0x42: {  	_ =	shalt  }
0x43: {  	_ =	shalt  }
0x44: {  	_ =	shalt  }
0x45: {  	_ =	shalt  }
0x46: {  	_ =	shalt  }
0x47: {  	_ =	shalt  }
0x48: {  	_ =	shalt  }
0x49: {  	_ =	shalt  }
0x4a: {  	_ =	shalt  }
0x4b: {  	_ =	shalt  }
0x4c: {  	_ =	shalt  }
0x4d: {  	_ =	shalt  }
0x4e: {  	_ =	shalt  }
0x4f: {  	_ =	shalt  }
0x50: {  	_ =	shalt  }
0x51: {  	_ =	shalt  }
0x52: {  	_ =	shalt  }
0x53: {  	_ =	shalt  }
0x54: {  	_ =	shalt  }
0x55: {  	_ =	shalt  }
0x56: {  	_ =	shalt  }
0x57: {  	_ =	shalt  }
0x58: {  	_ =	shalt  }
0x59: {  	_ =	shalt  }
0x5a: {  	_ =	shalt  }
0x5b: {  	_ =	shalt  }
0x5c: {  	_ =	shalt  }
0x5d: {  	_ =	shalt  }
0x5e: {  	_ =	shalt  }
0x5f: {  	_ =	shalt  }
0x60: {  	_ =	shalt  }
0x61: {  	_ =	shalt  }
0x62: {  	_ =	shalt  }
0x63: {  	_ =	shalt  }
0x64: {  	_ =	shalt  }
0x65: {  	_ =	shalt  }
0x66: {  	_ =	shalt  }
0x67: {  	_ =	shalt  }
0x68: {  	_ =	shalt  }
0x69: {  	_ =	shalt  }
0x6a: {  	_ =	shalt  }
0x6b: {  	_ =	shalt  }
0x6c: {  	_ =	shalt  }
0x6d: {  	_ =	shalt  }
0x6e: {  	_ =	shalt  }
0x6f: {  	_ =	shalt  }
0x70: {  	_ =	shalt  }
0x71: {  	_ =	shalt  }
0x72: {  	_ =	shalt  }
0x73: {  	_ =	shalt  }
0x74: {  	_ =	shalt  }
0x75: {  	_ =	shalt  }
0x76: {  	_ =	shalt  }
0x77: {  	_ =	shalt  }
0x78: {  	_ =	shalt  }
0x79: {  	_ =	shalt  }
0x7a: {  	_ =	shalt  }
0x7b: {  	_ =	shalt  }
0x7c: {  	_ =	shalt  }
0x7d: {  	_ =	shalt  }
0x7e: {  	_ =	shalt  }
0x7f: {  	_ =	shalt  }
0x80: {  	_ =	shalt  }
0x81: {  	_ =	shalt  }
0x82: {  	_ =	shalt  }
0x83: {  	_ =	shalt  }
0x84: {  	_ =	shalt  }
0x85: {  	_ =	shalt  }
0x86: {  	_ =	shalt  }
0x87: {  	_ =	shalt  }
.Lfunc_end0:
.L_simem_size_0:
called_computation_lowered:
.L_overlay_start_0:
0x88: {  	s2 =	sld [smem:$0x3FD9]  }
0x89: {  	s3 =	sld [smem:$0x3FFE];
	_ =	sdelay $0x1  }
0x8a: {  	s1 =	srdreg.scid  }
0x8b: {  	s0 =	sand.u32 $0x1, s1  }
0x8c: {  	s17 =	sshll.u32 s0, $0xA;
	s2 =	sadd.s32 s3, s2  }
0x8d: {  	s2 =	sadd.s32 s2, s17  }
0x8e: {  	[smem:$0x3FC5] =	sst s2  }
0x8f: {  	_ = 	snop  }
0x90: {  	s2 =	sld [smem:$0x3FC8]  }
0x91: {  	s18 =	sld [smem:$0x3FD0];
	(tm) =	ssettm $0x1  }
0x92: {  	s4 =	sld [smem:$0x3FFB];
	_ =	sdelay $0x3  }
0x93: {  	_ =	strace s4  }
0x94: {  	s4 =	sld [smem:$0x3FFC];
	_ =	sdelay $0x3  }
0x95: {  	_ =	strace s4  }
0x96: {  	s4 =	sld [smem:$0x3FFD];
	_ =	sdelay $0x3  }
0x97: {  	_ =	strace s4  }
0x98: {  	_ =	strace $0x8FFFFFFF  }
0x99: {  	s19 =	sld [smem:$0x3FDB];
	_ =	sdelay $0x1  }
0x9a: {  	s5 =	simm.s32 $_scs_section_size  }
0x9b: {  	s6 =	simm.s32 $_size__tile_overlayer_lowered;
	s7 =	simm.s32 $_tile_overlayer_lowered  }
0x9c: {  	s22 =	simm.s32 $0x1BFF;
	s21 =	sshll.u32 s7, $0x1;
	s4 =	sadd.s32 s5, s19  }
0x9d: {  	s8 =	simm.s32 $0x0;
	s20 =	sshll.u32 s6, $0x1;
	s6 =	sadd.s32 s21, s4  }
0x9e: {  	[timem:s8], [sflag:s22] =	dma.local [hbm:s6], s20  }
0x9f: {  	_ =	swait.ge [sflag:s22], s20  }
0xa0: {  	s5 =	ssub.s32 $0x0, s20;
	[sflag:s22] =	ssyncset.done $0x0  }
0xa1: {  	[sflag:s22] =	ssyncadd.s32 s5;
	_ =	sdelay $0x1  }
0xa2: {  	s23 =	simm.s32 $0x1B8B  }
0xa3: {  	_ =	swait.ge [sflag:s23], $0x1  }
0xa4: {  	[sflag:s23] =	ssyncset.done $0x0  }
0xa5: {  	s25 =	simm.s32 $0x1B8E;
	s24 =	sld [smem:$0x3FFE];
	[sflag:s23] =	ssyncadd.s32 $0xFFFFFFFF  }
0xa6: {  	s26 =	simm.s32 $execute0_lowered;
	[smem:$0x3FD2] =	sst s25  }
0xa7: {  	s6 =	sshll.u32 s26, $0x1;
	_ =	strace $0x80000046;
	[dreg:$0x1] =	wrdreg $0xFFFFFFFF  }
0xa8: {  	s28 =	simm.s32 $_size_execute0_lowered;
	s4 =	sadd.s32 s4, s6;
	[dreg:$0x0] =	wrdreg $0x0  }
0xa9: {  	s6 =	sshll.u32 s28, $0x1;
	[dreg:$0x2] =	wrdreg s4  }
0xaa: {  	[dreg:$0x3] =	wrdreg s6  }
0xab: {  	[dreg:$0x4] =	wrdreg $0xC0  }
0xac: {  	_ =	task [dreg:s8], $0x5FFFF  }
0xad: {  	[dreg:$0x1] =	wrdreg $0xFFFFFFFF  }
0xae: {  	[dreg:$0x0] =	wrdreg $0x60  }
0xaf: {  	[dreg:$0x2] =	wrdreg s24  }
0xb0: {  	[dreg:$0x3] =	wrdreg s2  }
0xb1: {  	[dreg:$0x4] =	wrdreg s18  }
0xb2: {  	[dreg:$0x5] =	wrdreg $0x9  }
0xb3: {  	_ =	task.clear_ibuf [dreg:s8], $0x6FFFF;
	_ =	strace $0x90000046  }
0xb4: {  	s29 =	simm.s32 $0x9;
	_ =	strace $0x80000048  }
0xb5: {  	_ =	swait.ge [sflag:s29], $0x1  }
0xb6: {  	[sflag:s29] =	ssyncadd.s32 $0xFFFFFFFF  }
0xb7: {  	_ =	strace $0x90000048  }
0xb8: {  	_ =	sfence  }
0xb9: {  	s30 =	sld [smem:$0x0];
	_ =	sdelay $0x2  }
0xba: {  	s31 =	sshll.u32 s1, $0xD;
	s1 =	sshrl.u32 s1, $0x2  }
0xbb: {  	s3 =	sand.u32 $0x4000, s31;
	s1 =	sadd.s32 s1, s30  }
0xbc: {  	s0 =	sor.u32 s3, s0;
	s1 =	sshll.u32 s1, $0x11  }
0xbd: {  	s0 =	sor.u32 s1, s0  }
0xbe: {  	s0 =	sadd.s32 $0x8F2B, s0  }
0xbf: {  	[sflag:s0] =	ssyncadd.remote.s32 $0x1  }
0xc0: {  	_ =	sfence.sel $0xFFFF  }
0xc1: {  	[dreg:$0x0] =	wrdreg $0xFFFFFFFF;
	(pc) =	sbr.abs _section_cstart, $3  }
0xc2: {  	[dreg:$0x1] =	wrdreg $0xFFFFFFFF  }
0xc3: {  	_ =	task.clear_ibuf [dreg:s8], $0x2FFFF;
	_ =	strace $0x9FFFFFFF  }
0xc4: {  	(tm) =	ssettm $0x7FFFFFFF  }
0xc5: {  	_ =	shalt  }
tec
execute0_lowered:
.L_overlay_start_1:
0x0: {  	(tag) =	ssettag $0x1  }
0x1: {  	s3 =	rddreg [dreg:$0x0]  }
0x2: {  	s0 =	srdreg.scid;
	s4 =	rddreg [dreg:$0x1]  }
0x3: {  	s6 =	rddreg [dreg:$0x2];
	s1 =	stileid.u32;
	s2 =	simm.s32 $0x0  }
0x4: {  	s10 =	simm.s32 $0x1;
	s11 =	simm.s32 $0x2;
	s5 =	sand.u32 $0x1, s0  }
0x5: {  	s12 =	simm.s32 $0x1D700;
	s13 =	simm.s32 $0x3;
	s7 =	sshll.u32 s5, $0x4  }
0x6: {  	s14 =	simm.s32 $0x0;
	s0 =	rddreg [dreg:$0x3];
	s7 =	sor.u32 s1, s7  }
0x7: {  	[smem:$0x7FF] =	sst s2;
	s8 =	sshll.u32 s1, $0x7;
	s7 =	sshrl.u32 s7, $0x3  }
0x8: {  	s3 =	sadd.s32 $0x800, s3;
	_ =	strace $0x80000047;
	s9 =	smul.u32 $0xC3800, s7  }
0x9: {  	s8 =	sand.u32 $0x380, s8;
	s5 =	ssub.s32 $0x2, s5;
	s7 =	sshll.u32 s7, $0xD  }
0xa: {  	s31 =	sshrl.u32 s5, $0x1;
	s7 =	sor.u32 s8, s7;
	s9 =	sor.u32 s8, s9  }
0xb: {  	s7 =	sshrl.u32 s7, $0x3;
	s8 =	ssub.s32 s5, s31;
	s9 =	sshrl.u32 s9, $0x3  }
0xc: {  	s5 =	sadd.s32 s6, s7;
	s6 =	smax.u32 s8, $0x1;
	s7 =	simm.s32 $0x80  }
0xd: {  	s8 =	simm.s32 $0x400;
	s4 =	sadd.s32 s4, s9;
	s9 =	simm.s32 $0x5000  }
.LBB2_1:
0xe: {  	[tilespmem:s2], [sflag:$0x1] =	stream.linear.gather [hbm4b:s3+s2], $0x5000, $0x38;
	[tilespmem:$0x1DB00] =	vst v63  }
0xf: {  	_ = 	snop  }
0x10: {  	[tilespmem:s9], [sflag:$0x2] =	stream.strided.gather [hbm4b:s4+s7], $0x18700, s8, s7, $0x38;
	[tilespmem:$0x1DB00] =	vst v63  }
0x11: {  	_ =	swait.ge [sflag:s10], $0x5000  }
0x12: {  	[sflag:s10] =	ssyncset.done $0x0  }
0x13: {  	[sflag:s10] =	ssyncadd.s32 $0xFFFFB000  }
0x14: {  	_ =	swait.ge [sflag:s11], $0x18700  }
0x15: {  	s15 =	simm.s32 $0x0;
	[sflag:s11] =	ssyncset.done $0x0  }
0x16: {  	s16 =	sand.u32 $0x3C0, s15;
	[sflag:s11] =	ssyncadd.s32 $0xFFFE7900  }
0x17: {  	v0 =	vld [tilespmem:s16+$0x4C00]  }
0x18: {  	v1 =	vld [tilespmem:s16+$0x4800]  }
0x19: {  	v2 =	vld [tilespmem:s16+$0x4400]  }
0x1a: {  	v3 =	vld [tilespmem:s16+$0x4000]  }
0x1b: {  	v4 =	vld [tilespmem:s16+$0x3C00]  }
0x1c: {  	v5 =	vld [tilespmem:s16+$0x3800]  }
0x1d: {  	v6 =	vld [tilespmem:s16+$0x3400]  }
0x1e: {  	v7 =	vld [tilespmem:s16+$0x3000]  }
0x1f: {  	v8 =	vld [tilespmem:s16+$0x2C00]  }
0x20: {  	v9 =	vld [tilespmem:s16+$0x2800]  }
0x21: {  	v10 =	vld [tilespmem:s16+$0x2400]  }
0x22: {  	v11 =	vld [tilespmem:s16+$0x2000]  }
0x23: {  	v12 =	vld [tilespmem:s16+$0x1C00]  }
0x24: {  	v13 =	vld [tilespmem:s16+$0x1800]  }
0x25: {  	v14 =	vld [tilespmem:s16+$0x1400]  }
0x26: {  	v15 =	vld [tilespmem:s16+$0x1000]  }
0x27: {  	v16 =	vld [tilespmem:s16+$0xC00]  }
0x28: {  	v17 =	vld [tilespmem:s16+$0x800]  }
0x29: {  	v18 =	vld [tilespmem:s16+$0x400];
	s16 =	simm.s32 $0x0  }
0x2a: {  	v20 =	vld [tilespmem:s16+$0x0]  }
0x2b: {  	v21 =	vld [tilespmem:s16+$0x430]  }
0x2c: {  	v22 =	vld [tilespmem:s16+$0x10]  }
0x2d: {  	v23 =	vld [tilespmem:s16+$0x830]  }
0x2e: {  	v24 =	vld [tilespmem:s16+$0x20]  }
0x2f: {  	v25 =	vld [tilespmem:s16+$0xC30]  }
0x30: {  	v26 =	vld [tilespmem:s16+$0x1030]  }
0x31: {  	v28 =	vld [tilespmem:s16+$0x1830]  }
0x32: {  	v29 =	vld [tilespmem:s16+$0x1C30]  }
0x33: {  	v30 =	vld [tilespmem:s16+$0x2030]  }
0x34: {  	v31 =	vld [tilespmem:s16+$0x2430]  }
0x35: {  	v33 =	vld [tilespmem:s16+$0x2C30]  }
0x36: {  	v34 =	vld [tilespmem:s16+$0x3030]  }
0x37: {  	v35 =	vld [tilespmem:s16+$0x3430]  }
0x38: {  	v36 =	vld [tilespmem:s16+$0x3830]  }
0x39: {  	v38 =	vld [tilespmem:s16+$0x4030]  }
0x3a: {  	v39 =	vld [tilespmem:s16+$0x4430]  }
0x3b: {  	v40 =	vld [tilespmem:s16+$0x4830]  }
0x3c: {  	v41 =	vld [tilespmem:s16+$0x4C30]  }
0x3d: {  	v43 =	vld [tilespmem:s16+$0x410]  }
0x3e: {  	v44 =	vld [tilespmem:s16+$0x420]  }
0x3f: {  	v45 =	vld [tilespmem:s16+$0x810]  }
0x40: {  	v46 =	vld [tilespmem:s16+$0x820]  }
0x41: {  	v61 =	vld [tilespmem:s16+$0xC10]  }
0x42: {  	v47 =	vld [tilespmem:s16+$0xC20]  }
0x43: {  	v48 =	vld [tilespmem:s16+$0x1010]  }
0x44: {  	v49 =	vld [tilespmem:s16+$0x1020]  }
0x45: {  	v50 =	vld [tilespmem:s16+$0x1410]  }
0x46: {  	v51 =	vld [tilespmem:s16+$0x1420]  }
0x47: {  	v52 =	vld [tilespmem:s16+$0x1810]  }
0x48: {  	v53 =	vld [tilespmem:s16+$0x1820]  }
0x49: {  	v54 =	vld [tilespmem:s16+$0x1C10]  }
0x4a: {  	v55 =	vld [tilespmem:s16+$0x1C20]  }
0x4b: {  	v56 =	vld [tilespmem:s16+$0x2010]  }
0x4c: {  	v57 =	vld [tilespmem:s16+$0x2020]  }
0x4d: {  	v58 =	vld [tilespmem:s16+$0x2410]  }
0x4e: {  	v59 =	vld [tilespmem:s16+$0x2420]  }
0x4f: {  	v62 =	vld [tilespmem:s16+$0x2810]  }
0x50: {  	v63 =	vld [tilespmem:s16+$0x2820]  }
0x51: {  	v0 =	vld.idx.msk [tilespmem:v0+s9+$0x0], $0xffff  }
0x52: {  	v1 =	vld.idx.msk [tilespmem:v1+s9+$0x0], $0xffff  }
0x53: {  	v2 =	vld.idx.msk [tilespmem:v2+s9+$0x0], $0xffff  }
0x54: {  	v3 =	vld.idx.msk [tilespmem:v3+s9+$0x0], $0xffff  }
0x55: {  	v4 =	vld.idx.msk [tilespmem:v4+s9+$0x0], $0xffff  }
0x56: {  	v5 =	vld.idx.msk [tilespmem:v5+s9+$0x0], $0xffff  }
0x57: {  	v6 =	vld.idx.msk [tilespmem:v6+s9+$0x0], $0xffff  }
0x58: {  	v7 =	vld.idx.msk [tilespmem:v7+s9+$0x0], $0xffff  }
0x59: {  	v8 =	vld.idx.msk [tilespmem:v8+s9+$0x0], $0xffff  }
0x5a: {  	v9 =	vld.idx.msk [tilespmem:v9+s9+$0x0], $0xffff  }
0x5b: {  	v19 =	vld.idx.msk [tilespmem:v10+s9+$0x0], $0xffff  }
0x5c: {  	v11 =	vld.idx.msk [tilespmem:v11+s9+$0x0], $0xffff  }
0x5d: {  	v12 =	vld.idx.msk [tilespmem:v12+s9+$0x0], $0xffff  }
0x5e: {  	v13 =	vld.idx.msk [tilespmem:v13+s9+$0x0], $0xffff  }
0x5f: {  	v14 =	vld.idx.msk [tilespmem:v14+s9+$0x0], $0xffff  }
0x60: {  	v15 =	vld.idx.msk [tilespmem:v15+s9+$0x0], $0xffff  }
0x61: {  	v16 =	vld.idx.msk [tilespmem:v16+s9+$0x0], $0xffff  }
0x62: {  	v17 =	vld.idx.msk [tilespmem:v17+s9+$0x0], $0xffff  }
0x63: {  	v18 =	vld.idx.msk [tilespmem:v18+s9+$0x0], $0xffff  }
0x64: {  	v10 =	vld [tilespmem:s16+$0x30]  }
0x65: {  	v21 =	vld.idx.msk [tilespmem:v21+s9+$0x0], $0xffff  }
0x66: {  	v23 =	vld.idx.msk [tilespmem:v23+s9+$0x0], $0xffff  }
0x67: {  	v25 =	vld.idx.msk [tilespmem:v25+s9+$0x0], $0xffff  }
0x68: {  	v26 =	vld.idx.msk [tilespmem:v26+s9+$0x0], $0xffff  }
0x69: {  	v28 =	vld.idx.msk [tilespmem:v28+s9+$0x0], $0xffff  }
0x6a: {  	v29 =	vld.idx.msk [tilespmem:v29+s9+$0x0], $0xffff  }
0x6b: {  	v30 =	vld.idx.msk [tilespmem:v30+s9+$0x0], $0xffff  }
0x6c: {  	v31 =	vld.idx.msk [tilespmem:v31+s9+$0x0], $0xffff  }
0x6d: {  	v33 =	vld.idx.msk [tilespmem:v33+s9+$0x0], $0xffff  }
0x6e: {  	v34 =	vld.idx.msk [tilespmem:v34+s9+$0x0], $0xffff  }
0x6f: {  	v35 =	vld.idx.msk [tilespmem:v35+s9+$0x0], $0xffff  }
0x70: {  	v36 =	vld.idx.msk [tilespmem:v36+s9+$0x0], $0xffff  }
0x71: {  	v38 =	vld.idx.msk [tilespmem:v38+s9+$0x0], $0xffff  }
0x72: {  	v39 =	vld.idx.msk [tilespmem:v39+s9+$0x0], $0xffff  }
0x73: {  	v40 =	vld.idx.msk [tilespmem:v40+s9+$0x0], $0xffff  }
0x74: {  	v20 =	vld.idx.msk [tilespmem:v20+s9+$0x0], $0xffff  }
0x75: {  	v22 =	vld.idx.msk [tilespmem:v22+s9+$0x0], $0xffff  }
0x76: {  	v24 =	vld.idx.msk [tilespmem:v24+s9+$0x0], $0xffff  }
0x77: {  	v27 =	vld.idx.msk [tilespmem:v10+s9+$0x0], $0xffff  }
0x78: {  	v10 =	vld [tilespmem:s16+$0x1430]  }
0x79: {  	v43 =	vld.idx.msk [tilespmem:v43+s9+$0x0], $0xffff  }
0x7a: {  	v44 =	vld.idx.msk [tilespmem:v44+s9+$0x0], $0xffff  }
0x7b: {  	v45 =	vld.idx.msk [tilespmem:v45+s9+$0x0], $0xffff  }
0x7c: {  	v46 =	vld.idx.msk [tilespmem:v46+s9+$0x0], $0xffff  }
0x7d: {  	v47 =	vld.idx.msk [tilespmem:v47+s9+$0x0], $0xffff  }
0x7e: {  	v48 =	vld.idx.msk [tilespmem:v48+s9+$0x0], $0xffff  }
0x7f: {  	v49 =	vld.idx.msk [tilespmem:v49+s9+$0x0], $0xffff  }
0x80: {  	v32 =	vld.idx.msk [tilespmem:v10+s9+$0x0], $0xffff  }
0x81: {  	v10 =	vld [tilespmem:s16+$0x2830]  }
0x82: {  	v50 =	vld.idx.msk [tilespmem:v50+s9+$0x0], $0xffff  }
0x83: {  	v51 =	vld.idx.msk [tilespmem:v51+s9+$0x0], $0xffff;
	v20 =	vadd.f32 $0.0e+00, v20  }
0x84: {  	v52 =	vld.idx.msk [tilespmem:v52+s9+$0x0], $0xffff  }
0x85: {  	v53 =	vld.idx.msk [tilespmem:v53+s9+$0x0], $0xffff;
	v18 =	vadd.f32 v18, v20  }
0x86: {  	v60 =	vld.idx.msk [tilespmem:v62+s9+$0x0], $0xffff;
	v27 =	vadd.f32 $0.0e+00, v27  }
0x87: {  	v20 =	vld.idx.msk [tilespmem:v54+s9+$0x0], $0xffff;
	v17 =	vadd.f32 v17, v18  }
0x88: {  	v54 =	vld [tilespmem:s16+$0x2C10];
	v21 =	vadd.f32 v21, v27  }
0x89: {  	v16 =	vadd.f32 v16, v17;
	v37 =	vld.idx.msk [tilespmem:v10+s9+$0x0], $0xffff  }
0x8a: {  	v21 =	vadd.f32 v23, v21;
	v10 =	vld [tilespmem:s16+$0x3C30]  }
0x8b: {  	v17 =	vld.idx.msk [tilespmem:v56+s9+$0x0], $0xffff;
	v15 =	vadd.f32 v15, v16  }
0x8c: {  	v56 =	vld.idx.msk [tilespmem:v58+s9+$0x0], $0xffff;
	v21 =	vadd.f32 v25, v21  }
0x8d: {  	v58 =	vld [tilespmem:s16+$0x3010];
	v14 =	vadd.f32 v14, v15  }
0x8e: {  	v27 =	vld.idx.msk [tilespmem:v55+s9+$0x0], $0xffff;
	v21 =	vadd.f32 v26, v21  }
0x8f: {  	v55 =	vld [tilespmem:s16+$0x2C20];
	v13 =	vadd.f32 v13, v14  }
0x90: {  	v16 =	vld.idx.msk [tilespmem:v54+s9+$0x0], $0xffff;
	v21 =	vadd.f32 v32, v21  }
0x91: {  	v23 =	vld.idx.msk [tilespmem:v63+s9+$0x0], $0xffff;
	v12 =	vadd.f32 v12, v13  }
0x92: {  	v21 =	vadd.f32 v28, v21;
	v42 =	vld.idx.msk [tilespmem:v10+s9+$0x0], $0xffff  }
0x93: {  	v22 =	vadd.f32 $0.0e+00, v22;
	v11 =	vadd.f32 v11, v12;
	v10 =	vld.idx.msk [tilespmem:v41+s9+$0x0], $0xffff  }
0x94: {  	v24 =	vadd.f32 $0.0e+00, v24;
	v21 =	vadd.f32 v29, v21;
	v41 =	vld.idx.msk [tilespmem:v61+s9+$0x0], $0xffff  }
0x95: {  	v63 =	vld [tilespmem:s16+$0x3410];
	v11 =	vadd.f32 v19, v11;
	v61 =	vadd.f32 v43, v22  }
0x96: {  	v62 =	vadd.f32 v44, v24;
	v25 =	vld.idx.msk [tilespmem:v57+s9+$0x0], $0xffff;
	v21 =	vadd.f32 v30, v21  }
0x97: {  	v57 =	vld.idx.msk [tilespmem:v59+s9+$0x0], $0xffff;
	v9 =	vadd.f32 v9, v11;
	v18 =	vadd.f32 v45, v61  }
0x98: {  	v59 =	vld [tilespmem:s16+$0x3020];
	v21 =	vadd.f32 v31, v21;
	v22 =	vadd.f32 v46, v62  }
0x99: {  	v11 =	vld [tilespmem:s16+$0x3810];
	v8 =	vadd.f32 v8, v9;
	v18 =	vadd.f32 v41, v18  }
0x9a: {  	v9 =	vld.idx.msk [tilespmem:v58+s9+$0x0], $0xffff;
	v21 =	vadd.f32 v37, v21;
	v44 =	vadd.f32 v47, v22  }
0x9b: {  	v7 =	vadd.f32 v7, v8;
	v8 =	vld [tilespmem:s16+$0x3C10];
	v18 =	vadd.f32 v48, v18  }
0x9c: {  	v43 =	vld [tilespmem:s16+$0x3420];
	v21 =	vadd.f32 v33, v21;
	v19 =	vadd.f32 v49, v44  }
0x9d: {  	v46 =	vld [tilespmem:s16+$0x3820];
	v6 =	vadd.f32 v6, v7;
	v47 =	vadd.f32 v50, v18  }
0x9e: {  	v7 =	vld.idx.msk [tilespmem:v63+s9+$0x0], $0xffff;
	v21 =	vadd.f32 v34, v21;
	v48 =	vadd.f32 v51, v19  }
0x9f: {  	v45 =	vld.idx.msk [tilespmem:v55+s9+$0x0], $0xffff;
	v5 =	vadd.f32 v5, v6;
	v14 =	vadd.f32 v52, v47  }
0xa0: {  	v6 =	vld [tilespmem:s16+$0x4010];
	v21 =	vadd.f32 v35, v21;
	v18 =	vadd.f32 v53, v48  }
0xa1: {  	v55 =	vld [tilespmem:s16+$0x4020];
	v4 =	vadd.f32 v4, v5;
	v51 =	vadd.f32 v20, v14  }
0xa2: {  	v11 =	vld.idx.msk [tilespmem:v11+s9+$0x0], $0xffff;
	v54 =	vadd.f32 v36, v21;
	v52 =	vadd.f32 v27, v18  }
0xa3: {  	v49 =	vld.idx.msk [tilespmem:v59+s9+$0x0], $0xffff;
	v3 =	vadd.f32 v3, v4;
	v12 =	vadd.f32 v17, v51  }
0xa4: {  	v50 =	vld [tilespmem:s16+$0x3C20];
	v14 =	vadd.f32 v25, v52;
	v20 =	vadd.f32 v42, v54  }
0xa5: {  	v59 =	vld [tilespmem:s16+$0x4410];
	v2 =	vadd.f32 v2, v3;
	v5 =	vadd.f32 v56, v12  }
0xa6: {  	v8 =	vld.idx.msk [tilespmem:v8+s9+$0x0], $0xffff;
	v58 =	vadd.f32 v38, v20;
	v56 =	vadd.f32 v57, v14  }
0xa7: {  	v53 =	vld.idx.msk [tilespmem:v43+s9+$0x0], $0xffff;
	v63 =	vadd.f32 v1, v2;
	v4 =	vadd.f32 v60, v5  }
0xa8: {  	v2 =	vld [tilespmem:s16+$0x4810];
	v61 =	vadd.f32 v39, v58;
	v5 =	vadd.f32 v23, v56  }
0xa9: {  	v1 =	vld [tilespmem:s16+$0x4820];
	v3 =	vadd.f32 v16, v4  }
0xaa: {  	v60 =	vld [tilespmem:s16+$0x4420];
	v4 =	vadd.f32 v45, v5;
	v5 =	vadd.f32 v40, v61  }
0xab: {  	v57 =	vld.idx.msk [tilespmem:v46+s9+$0x0], $0xffff;
	v3 =	vadd.f32 v9, v3  }
0xac: {  	v62 =	vld.idx.msk [tilespmem:v50+s9+$0x0], $0xffff;
	v4 =	vadd.f32 v49, v4;
	v9 =	vadd.f32 v10, v5  }
0xad: {  	v10 =	vadd.f32 v0, v63;
	v5 =	vld.idx.msk [tilespmem:v6+s9+$0x0], $0xffff;
	v3 =	vadd.f32 v7, v3  }
0xae: {  	v0 =	vld [tilespmem:s16+$0x4C10];
	v6 =	vadd.f32 v53, v4  }
0xaf: {  	v4 =	vld.idx.msk [tilespmem:v55+s9+$0x0], $0xffff;
	v7 =	vmul.f32 $5.000000070e-02, v9;
	v9 =	vmul.f32 $5.000000070e-02, v10;
	v10 =	vadd.f32 v11, v3  }
0xb0: {  	v11 =	vadd.f32 v57, v6;
	v3 =	vld [tilespmem:s16+$0x4C20]  }
0xb1: {  	v6 =	vld.idx.msk [tilespmem:v59+s9+$0x0], $0xffff;
	[tilespmem:s16+$0x1D700] =	vst v9;
	v9 =	vadd.f32 v8, v10  }
0xb2: {  	s17 =	simm.s32 $0x0;
	[tilespmem:s16+$0x1D730] =	vst v7;
	v7 =	vld.idx.msk [tilespmem:v60+s9+$0x0], $0xffff;
	v8 =	vadd.f32 v62, v11  }
.LBB2_2:
0xb3: {  	s15 =	sadd.s32 $0x40, s15;
	v5 =	vadd.f32 v5, v9;
	v2 =	vld.idx.msk [tilespmem:v2+s9+$0x0], $0xffff  }
0xb4: {  	v4 =	vadd.f32 v4, v8;
	s18 =	sand.u32 $0x3C0, s15;
	p0 =	slt.u32 s15, $0x3C0;
	v1 =	vld.idx.msk [tilespmem:v1+s9+$0x0], $0xffff  }
0xb5: {  	v8 =	vld [tilespmem:s18+$0x4C00]  }
0xb6: {  	v9 =	vld [tilespmem:s18+$0x4800]  }
0xb7: {  	v5 =	vadd.f32 v6, v5;
	v0 =	vld.idx.msk [tilespmem:v0+s9+$0x0], $0xffff  }
0xb8: {  	v4 =	vadd.f32 v7, v4;
	v3 =	vld.idx.msk [tilespmem:v3+s9+$0x0], $0xffff  }
0xb9: {  	v2 =	vadd.f32 v2, v5;
	v6 =	vld [tilespmem:s18+$0x4400]  }
0xba: {  	v1 =	vadd.f32 v1, v4;
	v5 =	vld [tilespmem:s18+$0x4000]  }
0xbb: {  	v4 =	vld [tilespmem:s18+$0x3C00]  }
0xbc: {  	v7 =	vld [tilespmem:s18+$0x3800]  }
0xbd: {  	v0 =	vadd.f32 v0, v2;
	v10 =	vld [tilespmem:s18+$0x3400]  }
0xbe: {  	v1 =	vadd.f32 v3, v1;
	v11 =	vld [tilespmem:s18+$0x3000]  }
0xbf: {  	v0 =	vmul.f32 $5.000000070e-02, v0;
	v12 =	vld [tilespmem:s18+$0x2C00]  }
0xc0: {  	v1 =	vmul.f32 $5.000000070e-02, v1;
	v13 =	vld [tilespmem:s18+$0x2800]  }
0xc1: {  	v14 =	vld [tilespmem:s18+$0x2400];
	[tilespmem:s16+$0x1D710] =	vst v0  }
0xc2: {  	v15 =	vld [tilespmem:s18+$0x2000];
	[tilespmem:s16+$0x1D720] =	vst v1  }
0xc3: {  	v16 =	vld [tilespmem:s18+$0x1C00]  }
0xc4: {  	v17 =	vld [tilespmem:s18+$0x1800]  }
0xc5: {  	v18 =	vld [tilespmem:s18+$0x1400]  }
0xc6: {  	v19 =	vld [tilespmem:s18+$0x1000]  }
0xc7: {  	v20 =	vld [tilespmem:s18+$0xC00]  }
0xc8: {  	v21 =	vld [tilespmem:s18+$0x800]  }
0xc9: {  	v22 =	vld [tilespmem:s18+$0x400]  }
0xca: {  	v0 =	vld.idx.msk [tilespmem:v8+s9+$0x0], $0xffff  }
0xcb: {  	v1 =	vld.idx.msk [tilespmem:v9+s9+$0x0], $0xffff  }
0xcc: {  	v2 =	vld.idx.msk [tilespmem:v6+s9+$0x0], $0xffff  }
0xcd: {  	v3 =	vld.idx.msk [tilespmem:v5+s9+$0x0], $0xffff  }
0xce: {  	v4 =	vld.idx.msk [tilespmem:v4+s9+$0x0], $0xffff  }
0xcf: {  	v5 =	vld.idx.msk [tilespmem:v7+s9+$0x0], $0xffff  }
0xd0: {  	v6 =	vld.idx.msk [tilespmem:v10+s9+$0x0], $0xffff  }
0xd1: {  	v7 =	vld.idx.msk [tilespmem:v11+s9+$0x0], $0xffff  }
0xd2: {  	v8 =	vld.idx.msk [tilespmem:v12+s9+$0x0], $0xffff  }
0xd3: {  	v9 =	vld.idx.msk [tilespmem:v13+s9+$0x0], $0xffff  }
0xd4: {  	v10 =	vld.idx.msk [tilespmem:v14+s9+$0x0], $0xffff  }
0xd5: {  	v11 =	vld.idx.msk [tilespmem:v15+s9+$0x0], $0xffff  }
0xd6: {  	v12 =	vld.idx.msk [tilespmem:v16+s9+$0x0], $0xffff  }
0xd7: {  	v13 =	vld.idx.msk [tilespmem:v17+s9+$0x0], $0xffff  }
0xd8: {  	v14 =	vld.idx.msk [tilespmem:v18+s9+$0x0], $0xffff  }
0xd9: {  	v15 =	vld.idx.msk [tilespmem:v19+s9+$0x0], $0xffff  }
0xda: {  	v16 =	vld.idx.msk [tilespmem:v20+s9+$0x0], $0xffff  }
0xdb: {  	s17 =	sadd.s32 $0x100, s17;
	v17 =	vld.idx.msk [tilespmem:v21+s9+$0x0], $0xffff  }
0xdc: {  	s16 =	sshra.s32 s17, $0x2;
	v18 =	vld.idx.msk [tilespmem:v22+s9+$0x0], $0xffff  }
0xdd: {  	v19 =	vld [tilespmem:s16+$0x30]  }
0xde: {  	v20 =	vld [tilespmem:s16+$0x0]  }
0xdf: {  	v21 =	vld [tilespmem:s16+$0x430]  }
0xe0: {  	v22 =	vld [tilespmem:s16+$0x10]  }
0xe1: {  	v23 =	vld [tilespmem:s16+$0x830]  }
0xe2: {  	v24 =	vld [tilespmem:s16+$0x20]  }
0xe3: {  	v25 =	vld [tilespmem:s16+$0xC30]  }
0xe4: {  	v26 =	vld [tilespmem:s16+$0x1030]  }
0xe5: {  	v19 =	vld.idx.msk [tilespmem:v19+s9+$0x0], $0xffff  }
0xe6: {  	v27 =	vld [tilespmem:s16+$0x1430]  }
0xe7: {  	v21 =	vld.idx.msk [tilespmem:v21+s9+$0x0], $0xffff  }
0xe8: {  	v28 =	vld [tilespmem:s16+$0x1830]  }
0xe9: {  	v23 =	vld.idx.msk [tilespmem:v23+s9+$0x0], $0xffff  }
0xea: {  	v29 =	vld [tilespmem:s16+$0x1C30]  }
0xeb: {  	v19 =	vadd.f32 $0.0e+00, v19;
	v25 =	vld.idx.msk [tilespmem:v25+s9+$0x0], $0xffff  }
0xec: {  	v30 =	vld [tilespmem:s16+$0x2030]  }
0xed: {  	v19 =	vadd.f32 v21, v19;
	v21 =	vld.idx.msk [tilespmem:v26+s9+$0x0], $0xffff  }
0xee: {  	v26 =	vld [tilespmem:s16+$0x2430]  }
0xef: {  	v19 =	vadd.f32 v23, v19;
	v23 =	vld.idx.msk [tilespmem:v27+s9+$0x0], $0xffff  }
0xf0: {  	v27 =	vld [tilespmem:s16+$0x2830]  }
0xf1: {  	v19 =	vadd.f32 v25, v19;
	v25 =	vld.idx.msk [tilespmem:v28+s9+$0x0], $0xffff  }
0xf2: {  	v28 =	vld [tilespmem:s16+$0x2C30]  }
0xf3: {  	v19 =	vadd.f32 v21, v19;
	v21 =	vld.idx.msk [tilespmem:v29+s9+$0x0], $0xffff  }
0xf4: {  	v29 =	vld [tilespmem:s16+$0x3030]  }
0xf5: {  	v19 =	vadd.f32 v23, v19;
	v23 =	vld.idx.msk [tilespmem:v30+s9+$0x0], $0xffff  }
0xf6: {  	v30 =	vld [tilespmem:s16+$0x3430]  }
0xf7: {  	v19 =	vadd.f32 v25, v19;
	v25 =	vld.idx.msk [tilespmem:v26+s9+$0x0], $0xffff  }
0xf8: {  	v26 =	vld [tilespmem:s16+$0x3830]  }
0xf9: {  	v19 =	vadd.f32 v21, v19;
	v21 =	vld.idx.msk [tilespmem:v27+s9+$0x0], $0xffff  }
0xfa: {  	v27 =	vld [tilespmem:s16+$0x3C30]  }
0xfb: {  	v19 =	vadd.f32 v23, v19;
	v23 =	vld.idx.msk [tilespmem:v28+s9+$0x0], $0xffff  }
0xfc: {  	v28 =	vld [tilespmem:s16+$0x4030]  }
0xfd: {  	v19 =	vadd.f32 v25, v19;
	v25 =	vld.idx.msk [tilespmem:v29+s9+$0x0], $0xffff  }
0xfe: {  	v29 =	vld [tilespmem:s16+$0x4430]  }
0xff: {  	v19 =	vadd.f32 v21, v19;
	v21 =	vld.idx.msk [tilespmem:v30+s9+$0x0], $0xffff  }
0x100: {  	v30 =	vld [tilespmem:s16+$0x4830]  }
0x101: {  	v19 =	vadd.f32 v23, v19;
	v23 =	vld.idx.msk [tilespmem:v26+s9+$0x0], $0xffff  }
0x102: {  	v26 =	vld [tilespmem:s16+$0x4C30]  }
0x103: {  	v19 =	vadd.f32 v25, v19;
	v25 =	vld.idx.msk [tilespmem:v27+s9+$0x0], $0xffff  }
0x104: {  	v27 =	vld [tilespmem:s16+$0x410]  }
0x105: {  	v19 =	vadd.f32 v21, v19;
	v21 =	vld.idx.msk [tilespmem:v28+s9+$0x0], $0xffff  }
0x106: {  	v28 =	vld [tilespmem:s16+$0x420]  }
0x107: {  	v19 =	vadd.f32 v23, v19;
	v23 =	vld.idx.msk [tilespmem:v29+s9+$0x0], $0xffff  }
0x108: {  	v29 =	vld [tilespmem:s16+$0x810]  }
0x109: {  	v19 =	vadd.f32 v25, v19;
	v25 =	vld.idx.msk [tilespmem:v30+s9+$0x0], $0xffff  }
0x10a: {  	v30 =	vld [tilespmem:s16+$0x820]  }
0x10b: {  	v19 =	vadd.f32 v21, v19;
	v21 =	vld.idx.msk [tilespmem:v26+s9+$0x0], $0xffff  }
0x10c: {  	v20 =	vld.idx.msk [tilespmem:v20+s9+$0x0], $0xffff  }
0x10d: {  	v19 =	vadd.f32 v23, v19;
	v22 =	vld.idx.msk [tilespmem:v22+s9+$0x0], $0xffff  }
0x10e: {  	v23 =	vld.idx.msk [tilespmem:v24+s9+$0x0], $0xffff  }
0x10f: {  	v19 =	vadd.f32 v25, v19;
	v24 =	vld [tilespmem:s16+$0xC10]  }
0x110: {  	v25 =	vld [tilespmem:s16+$0xC20]  }
0x111: {  	v19 =	vadd.f32 v21, v19;
	v26 =	vld.idx.msk [tilespmem:v27+s9+$0x0], $0xffff  }
0x112: {  	v20 =	vadd.f32 $0.0e+00, v20;
	v21 =	vld.idx.msk [tilespmem:v28+s9+$0x0], $0xffff  }
0x113: {  	v22 =	vadd.f32 $0.0e+00, v22;
	v19 =	vmul.f32 $5.000000070e-02, v19;
	v27 =	vld [tilespmem:s16+$0x1010]  }
0x114: {  	v18 =	vadd.f32 v18, v20;
	v20 =	vadd.f32 $0.0e+00, v23;
	v23 =	vld [tilespmem:s16+$0x1020]  }
0x115: {  	v28 =	vld.idx.msk [tilespmem:v29+s9+$0x0], $0xffff;
	[tilespmem:s16+$0x1D730] =	vst v19  }
0x116: {  	v17 =	vadd.f32 v17, v18;
	v18 =	vld.idx.msk [tilespmem:v30+s9+$0x0], $0xffff  }
0x117: {  	v19 =	vadd.f32 v26, v22;
	v22 =	vld [tilespmem:s16+$0x1410]  }
0x118: {  	v16 =	vadd.f32 v16, v17;
	v17 =	vadd.f32 v21, v20;
	v20 =	vld [tilespmem:s16+$0x1420]  }
0x119: {  	v21 =	vld.idx.msk [tilespmem:v24+s9+$0x0], $0xffff  }
0x11a: {  	v15 =	vadd.f32 v15, v16;
	v16 =	vld.idx.msk [tilespmem:v25+s9+$0x0], $0xffff  }
0x11b: {  	v19 =	vadd.f32 v28, v19;
	v24 =	vld [tilespmem:s16+$0x1810]  }
0x11c: {  	v14 =	vadd.f32 v14, v15;
	v15 =	vadd.f32 v18, v17;
	v17 =	vld [tilespmem:s16+$0x1820]  }
0x11d: {  	v18 =	vld.idx.msk [tilespmem:v27+s9+$0x0], $0xffff  }
0x11e: {  	v13 =	vadd.f32 v13, v14;
	v14 =	vld.idx.msk [tilespmem:v23+s9+$0x0], $0xffff  }
0x11f: {  	v19 =	vadd.f32 v21, v19;
	v21 =	vld [tilespmem:s16+$0x1C10]  }
0x120: {  	v12 =	vadd.f32 v12, v13;
	v13 =	vadd.f32 v16, v15;
	v15 =	vld [tilespmem:s16+$0x1C20]  }
0x121: {  	v16 =	vld.idx.msk [tilespmem:v22+s9+$0x0], $0xffff  }
0x122: {  	v11 =	vadd.f32 v11, v12;
	v12 =	vld.idx.msk [tilespmem:v20+s9+$0x0], $0xffff  }
0x123: {  	v18 =	vadd.f32 v18, v19;
	v19 =	vld [tilespmem:s16+$0x2010]  }
0x124: {  	v10 =	vadd.f32 v10, v11;
	v11 =	vadd.f32 v14, v13;
	v13 =	vld [tilespmem:s16+$0x2020]  }
0x125: {  	v14 =	vld.idx.msk [tilespmem:v24+s9+$0x0], $0xffff  }
0x126: {  	v9 =	vadd.f32 v9, v10;
	v10 =	vld.idx.msk [tilespmem:v17+s9+$0x0], $0xffff  }
0x127: {  	v16 =	vadd.f32 v16, v18;
	v17 =	vld [tilespmem:s16+$0x2410]  }
0x128: {  	v8 =	vadd.f32 v8, v9;
	v9 =	vadd.f32 v12, v11;
	v11 =	vld [tilespmem:s16+$0x2420]  }
0x129: {  	v12 =	vld.idx.msk [tilespmem:v21+s9+$0x0], $0xffff  }
0x12a: {  	v7 =	vadd.f32 v7, v8;
	v8 =	vld.idx.msk [tilespmem:v15+s9+$0x0], $0xffff  }
0x12b: {  	v14 =	vadd.f32 v14, v16;
	v15 =	vld [tilespmem:s16+$0x2810]  }
0x12c: {  	v6 =	vadd.f32 v6, v7;
	v7 =	vadd.f32 v10, v9;
	v9 =	vld [tilespmem:s16+$0x2820]  }
0x12d: {  	v10 =	vld.idx.msk [tilespmem:v19+s9+$0x0], $0xffff  }
0x12e: {  	v5 =	vadd.f32 v5, v6;
	v6 =	vld.idx.msk [tilespmem:v13+s9+$0x0], $0xffff  }
0x12f: {  	v12 =	vadd.f32 v12, v14;
	v13 =	vld [tilespmem:s16+$0x2C10]  }
0x130: {  	v4 =	vadd.f32 v4, v5;
	v5 =	vadd.f32 v8, v7;
	v7 =	vld [tilespmem:s16+$0x2C20]  }
0x131: {  	v8 =	vld.idx.msk [tilespmem:v17+s9+$0x0], $0xffff  }
0x132: {  	v3 =	vadd.f32 v3, v4;
	v4 =	vld.idx.msk [tilespmem:v11+s9+$0x0], $0xffff  }
0x133: {  	v10 =	vadd.f32 v10, v12;
	v11 =	vld [tilespmem:s16+$0x3010]  }
0x134: {  	v2 =	vadd.f32 v2, v3;
	v3 =	vadd.f32 v6, v5;
	v5 =	vld [tilespmem:s16+$0x3020]  }
0x135: {  	v6 =	vld.idx.msk [tilespmem:v15+s9+$0x0], $0xffff  }
0x136: {  	v1 =	vadd.f32 v1, v2;
	v2 =	vld.idx.msk [tilespmem:v9+s9+$0x0], $0xffff  }
0x137: {  	v8 =	vadd.f32 v8, v10;
	v9 =	vld [tilespmem:s16+$0x3410]  }
0x138: {  	v0 =	vadd.f32 v0, v1;
	v1 =	vadd.f32 v4, v3;
	v3 =	vld [tilespmem:s16+$0x3420]  }
0x139: {  	v4 =	vld.idx.msk [tilespmem:v13+s9+$0x0], $0xffff  }
0x13a: {  	v0 =	vmul.f32 $5.000000070e-02, v0;
	v7 =	vld.idx.msk [tilespmem:v7+s9+$0x0], $0xffff  }
0x13b: {  	v6 =	vadd.f32 v6, v8;
	v8 =	vld [tilespmem:s16+$0x3810]  }
0x13c: {  	[tilespmem:s16+$0x1D700] =	vst v0;
	v0 =	vadd.f32 v2, v1;
	v1 =	vld [tilespmem:s16+$0x3820]  }
0x13d: {  	v2 =	vld.idx.msk [tilespmem:v11+s9+$0x0], $0xffff  }
0x13e: {  	v5 =	vld.idx.msk [tilespmem:v5+s9+$0x0], $0xffff  }
0x13f: {  	v4 =	vadd.f32 v4, v6;
	v6 =	vld [tilespmem:s16+$0x3C10]  }
0x140: {  	v0 =	vadd.f32 v7, v0;
	v7 =	vld [tilespmem:s16+$0x3C20]  }
0x141: {  	v9 =	vld.idx.msk [tilespmem:v9+s9+$0x0], $0xffff  }
0x142: {  	v3 =	vld.idx.msk [tilespmem:v3+s9+$0x0], $0xffff  }
0x143: {  	v2 =	vadd.f32 v2, v4;
	v4 =	vld [tilespmem:s16+$0x4010]  }
0x144: {  	v0 =	vadd.f32 v5, v0;
	v10 =	vld [tilespmem:s16+$0x4020]  }
0x145: {  	v5 =	vld.idx.msk [tilespmem:v8+s9+$0x0], $0xffff  }
0x146: {  	v1 =	vld.idx.msk [tilespmem:v1+s9+$0x0], $0xffff  }
0x147: {  	v2 =	vadd.f32 v9, v2;
	v11 =	vld [tilespmem:s16+$0x4410]  }
0x148: {  	v0 =	vadd.f32 v3, v0;
	v12 =	vld [tilespmem:s16+$0x4420]  }
0x149: {  	v3 =	vld.idx.msk [tilespmem:v6+s9+$0x0], $0xffff  }
0x14a: {  	v6 =	vld.idx.msk [tilespmem:v7+s9+$0x0], $0xffff  }
0x14b: {  	v7 =	vadd.f32 v5, v2;
	v2 =	vld [tilespmem:s16+$0x4810]  }
0x14c: {  	v8 =	vadd.f32 v1, v0;
	v1 =	vld [tilespmem:s16+$0x4820]  }
0x14d: {  	v5 =	vld.idx.msk [tilespmem:v4+s9+$0x0], $0xffff  }
.Ltmp0:
0x14e: {  	v4 =	vld.idx.msk [tilespmem:v10+s9+$0x0], $0xffff;
	(pc) =	sbr.rel @p0 .LBB2_2-.Ltmp0, $4  }
0x14f: {  	v9 =	vadd.f32 v3, v7;
	v0 =	vld [tilespmem:s16+$0x4C10]  }
0x150: {  	v8 =	vadd.f32 v6, v8;
	v3 =	vld [tilespmem:s16+$0x4C20]  }
0x151: {  	v6 =	vld.idx.msk [tilespmem:v11+s9+$0x0], $0xffff  }
0x152: {  	v7 =	vld.idx.msk [tilespmem:v12+s9+$0x0], $0xffff  }
0x153: {  	_ =	sdelay $0x3  }
0x154: {  	v2 =	vld.idx.msk [tilespmem:v2+s9+$0x0], $0xffff  }
0x155: {  	v5 =	vadd.f32 v5, v9;
	v1 =	vld.idx.msk [tilespmem:v1+s9+$0x0], $0xffff  }
0x156: {  	v4 =	vadd.f32 v4, v8;
	v0 =	vld.idx.msk [tilespmem:v0+s9+$0x0], $0xffff  }
0x157: {  	v3 =	vld.idx.msk [tilespmem:v3+s9+$0x0], $0xffff;
	v5 =	vadd.f32 v6, v5  }
0x158: {  	v4 =	vadd.f32 v7, v4  }
0x159: {  	v2 =	vadd.f32 v2, v5  }
0x15a: {  	v1 =	vadd.f32 v1, v4  }
0x15b: {  	v0 =	vadd.f32 v0, v2  }
0x15c: {  	v1 =	vadd.f32 v3, v1  }
0x15d: {  	v0 =	vmul.f32 $5.000000070e-02, v0  }
0x15e: {  	s14 =	sadd.s32 $0x1, s14;
	v1 =	vmul.f32 $5.000000070e-02, v1  }
0x15f: {  	p0 =	sne.s32 s14, s6;
	[tilespmem:s16+$0x1D710] =	vst v0  }
.Ltmp1:
0x160: {  	[tilespmem:s16+$0x1D720] =	vst v1;
	(pc) =	sbr.rel @p0 .LBB2_1-.Ltmp1, $4  }
0x161: {  	[hbm4b:s5+s7] =	stream.strided.scatter [tilespmem:s12], [sflag:$0x3], $0x400, s8, s7, $0x38;
	[tilespmem:$0x1DB00] =	vst v63  }
0x162: {  	_ =	swait.ge [sflag:s13], $0x400  }
0x163: {  	[sflag:s13] =	ssyncset.done $0x0  }
0x164: {  	[sflag:s13] =	ssyncadd.s32 $0xFFFFFC00  }
0x165: {  	_ =	sfence.sel $0x180000  }
0x166: {  	[bflag:$0x0] =	sbarrier.arrive $0xFFFF  }
0x167: {  	p0 =	sne.s32 s1, $0x0;
	_ =	strace $0x90000047  }
0x168: {  	s0 =	sadd.s32 @!p0 $0x100000, s0;
	[bflag:$0x2] =	sbarrier.arrive $0xFFFF  }
0x169: {  	[sflag:s0] =	ssyncadd.tile.s32 @!p0 $0x1;
	_ =	shalt  }
.Lfunc_end2:
_tile_overlayer_lowered:
.L_overlay_start_2:
0x16a: {  	(tag) =	ssettag $0x2  }
0x16b: {  	s0 =	rddreg [dreg:$0x0];
	s2 =	stileid.u32  }
0x16c: {  	s1 =	rddreg [dreg:$0x1];
	p0 =	sne.s32 s2, $0x0  }
0x16d: {  	s3 =	rddreg [dreg:$0x2];
	[bflag:$0x3] =	sbarrier.arrive $0xFFFF;
	s2 =	simm.s32 @!p0 $0x1C03  }
0x16e: {  	[timem:s3], [sflag:s2] =	dma.local @!p0 [hbm:s0], s1  }
0x16f: {  	s0 =	simm.s32 @!p0 $0x3  }
0x170: {  	_ =	swait.ge @!p0 [sflag:s0], s1  }
0x171: {  	s1 =	ssub.s32 @!p0 $0x0, s1;
	[sflag:s0] =	ssyncset.done @!p0 $0x0  }
0x172: {  	[sflag:s0] =	ssyncadd.s32 @!p0 s1  }
0x173: {  	[bflag:$0x3] =	sbarrier.arrive $0xFFFF  }
0x174: {  	_ =	shalt  }

</sc_bundles>
